<compile_context>
chip_gen: v7x
topology: tpu7x:2x2x1
jax: 0.10.2.dev20260603
libtpu: 0.0.44.dev20260713+nightly
codegen_flags: <defaults>
</compile_context>

<pallas_src>
import functools

import jax
import jax.numpy as jnp
from jax import lax
from jax.experimental import pallas as pl
from jax.experimental.pallas import tpu as pltpu
from jax.experimental.pallas import tpu_sc as plsc


S_BLK = 512


def _tc_body(x_ref, pe_ref, out_ref):
    out_ref[...] = x_ref[...] + pe_ref[...][None, :, :]


def _tc_kernel(x, pos_embed):
    B, S, D = x.shape
    grid = (S // S_BLK,)
    return pl.pallas_call(
        _tc_body,
        grid=grid,
        in_specs=[
            pl.BlockSpec((B, S_BLK, D), lambda i: (0, i, 0)),
            pl.BlockSpec((S_BLK, D), lambda i: (i, 0)),
        ],
        out_specs=pl.BlockSpec((B, S_BLK, D), lambda i: (0, i, 0)),
        out_shape=jax.ShapeDtypeStruct((B, S, D), x.dtype),
    )(x, pos_embed[:S])



_NC, _NS, _L = 2, 16, 16
_NW = _NC * _NS

_B, _S, _D = 4, 8192, 1024
_ROWS_PER_W = _S // _NW
_CH = 16
_CHE = _CH * _D
_NCHUNK = _ROWS_PER_W // _CH


_NSTEP = _NCHUNK * _B


def _sc_body(x_hbm, pe_hbm, out_hbm,
             xi0, xi1, xo0, xo1, pe0, pe1,
             in_s0, in_s1, out_s0, out_s1, pe_s0, pe_s1):
    wid = lax.axis_index("s") * _NC + lax.axis_index("c")
    s_base = wid * _ROWS_PER_W
    xi = (xi0, xi1)
    xo = (xo0, xo1)
    pe = (pe0, pe1)
    in_s = (in_s0, in_s1)
    out_s = (out_s0, out_s1)
    pe_s = (pe_s0, pe_s1)

    def x_off(k):
        return (k & 3) * (_S * _D) + (s_base + (k >> 2) * _CH) * _D

    def pe_off(c):
        return (s_base + c * _CH) * _D

    pltpu.async_copy(x_hbm.at[pl.ds(x_off(0), _CHE)], xi[0], in_s[0])
    pltpu.async_copy(pe_hbm.at[pl.ds(pe_off(0), _CHE)], pe[0], pe_s[0])

    @pl.loop(0, _NCHUNK // 2)
    def _cc(cc):
        for q in (0, 1):
            c = cc * 2 + q
            for b in range(_B):
                k = c * _B + b
                p = (4 * q + b) & 1

                if b == 0:
                    pltpu.make_async_copy(
                        pe_hbm.at[pl.ds(0, _CHE)], pe[q], pe_s[q]).wait()

                    @pl.when(c < _NCHUNK - 1)
                    def _():
                        pltpu.async_copy(
                            pe_hbm.at[pl.ds(pe_off(c + 1), _CHE)],
                            pe[1 - q], pe_s[1 - q])

                @pl.when(k >= 2)
                def _():
                    pltpu.make_async_copy(
                        x_hbm.at[pl.ds(0, _CHE)], xo[p], out_s[p]).wait()

                pltpu.make_async_copy(
                    x_hbm.at[pl.ds(0, _CHE)], xi[p], in_s[p]).wait()

                @pl.when(k < _NSTEP - 1)
                def _():
                    pltpu.async_copy(
                        x_hbm.at[pl.ds(x_off(k + 1), _CHE)],
                        xi[1 - p], in_s[1 - p])

                xi_p, xo_p, pe_q = xi[p], xo[p], pe[q]

                @plsc.parallel_loop(0, _CHE // _L, unroll=8)
                def _add(i):
                    sl = pl.ds(i * _L, _L)
                    xo_p[sl] = xi_p[sl] + pe_q[sl]

                pltpu.async_copy(xo[p], out_hbm.at[pl.ds(x_off(k), _CHE)],
                                 out_s[p])

    pltpu.make_async_copy(x_hbm.at[pl.ds(0, _CHE)], xo[0], out_s[0]).wait()
    pltpu.make_async_copy(x_hbm.at[pl.ds(0, _CHE)], xo[1], out_s[1]).wait()


def _sc_kernel(x, pos_embed):
    B, S, D = x.shape
    mesh = plsc.VectorSubcoreMesh(
        core_axis_name="c", subcore_axis_name="s",
        num_cores=_NC, num_subcores=_NS,
    )
    run = pl.kernel(
        _sc_body,
        out_type=jax.ShapeDtypeStruct((B * S * D,), x.dtype),
        mesh=mesh,
        scratch_types=(
            [pltpu.VMEM((_CHE,), jnp.float32) for _ in range(6)]
            + [pltpu.SemaphoreType.DMA for _ in range(6)]
        ),
    )
    out = run(x.reshape(-1), pos_embed[:S].reshape(-1))
    return out.reshape(B, S, D)



_SC_ROWS = 6144
_TC_ROWS = _B * _S - _SC_ROWS
_RPW = _SC_ROWS // _NW
_FCH = 16
_FCHE = _FCH * _D
_FNSTEP = _RPW // _FCH


def _tc_flat_body(x_ref, pe_ref, o_ref):
    o_ref[...] = x_ref[...] + pe_ref[...]


def _tc_flat(xf, pe):
    per = _S // S_BLK
    return pl.pallas_call(
        _tc_flat_body,
        grid=(_TC_ROWS // S_BLK,),
        in_specs=[
            pl.BlockSpec((S_BLK, _D), lambda i: (i, 0)),
            pl.BlockSpec((S_BLK, _D), lambda i: (i % per, 0)),
        ],
        out_specs=pl.BlockSpec((S_BLK, _D), lambda i: (i, 0)),
        out_shape=jax.ShapeDtypeStruct((_TC_ROWS, _D), xf.dtype),
    )(xf, pe)


def _sc_flat_body(x_hbm, pe_hbm, out_hbm,
                  xi0, xi1, xo0, xo1, pe0, pe1,
                  is0, is1, os0, os1, ps0, ps1):
    wid = lax.axis_index("s") * _NC + lax.axis_index("c")
    xi = (xi0, xi1)
    xo = (xo0, xo1)
    pe = (pe0, pe1)
    ins = (is0, is1)
    outs = (os0, os1)
    pes = (ps0, ps1)
    row0 = _TC_ROWS + wid * _RPW

    def rows(k):
        row = row0 + k * _FCH
        return (pl.multiple_of(row, _FCH),
                pl.multiple_of(row & (_S - 1), _FCH),
                pl.multiple_of(row - _TC_ROWS, _FCH))

    x0, p0, _ = rows(0)
    pltpu.async_copy(x_hbm.at[pl.ds(x0, _FCH)], xi[0], ins[0])
    pltpu.async_copy(pe_hbm.at[pl.ds(p0, _FCH)], pe[0], pes[0])

    @pl.loop(0, _FNSTEP // 2)
    def _kk(kk):
        for p in (0, 1):
            k = kk * 2 + p

            @pl.when(k >= 2)
            def _():
                pltpu.make_async_copy(
                    x_hbm.at[pl.ds(0, _FCH)], xo[p], outs[p]).wait()

            pltpu.make_async_copy(
                x_hbm.at[pl.ds(0, _FCH)], xi[p], ins[p]).wait()
            pltpu.make_async_copy(
                pe_hbm.at[pl.ds(0, _FCH)], pe[p], pes[p]).wait()

            @pl.when(k < _FNSTEP - 1)
            def _():
                xn, pn, _ = rows(k + 1)
                pltpu.async_copy(x_hbm.at[pl.ds(xn, _FCH)],
                                 xi[1 - p], ins[1 - p])
                pltpu.async_copy(pe_hbm.at[pl.ds(pn, _FCH)],
                                 pe[1 - p], pes[1 - p])

            xi_p, xo_p, pe_p = xi[p], xo[p], pe[p]

            @plsc.parallel_loop(0, _FCH * _D // _L, unroll=8)
            def _add(i):
                r = i >> 6
                sl = pl.ds((i & 63) * _L, _L)
                xo_p[r, sl] = xi_p[r, sl] + pe_p[r, sl]

            _, _, oo = rows(k)
            pltpu.async_copy(xo[p], out_hbm.at[pl.ds(oo, _FCH)], outs[p])

    pltpu.make_async_copy(x_hbm.at[pl.ds(0, _FCH)], xo[0], outs[0]).wait()
    pltpu.make_async_copy(x_hbm.at[pl.ds(0, _FCH)], xo[1], outs[1]).wait()


def _sc_flat(xf, pe):
    mesh = plsc.VectorSubcoreMesh(
        core_axis_name="c", subcore_axis_name="s",
        num_cores=_NC, num_subcores=_NS,
    )
    run = pl.kernel(
        _sc_flat_body,
        out_type=jax.ShapeDtypeStruct((_SC_ROWS, _D), xf.dtype),
        mesh=mesh,
        scratch_types=(
            [pltpu.VMEM((_FCH, _D), jnp.float32) for _ in range(6)]
            + [pltpu.SemaphoreType.DMA for _ in range(6)]
        ),
        compiler_params=pltpu.CompilerParams(use_tc_tiling_on_sc=True),
        cost_estimate=pl.CostEstimate(
            flops=_SC_ROWS * _D,
            bytes_accessed=3 * _SC_ROWS * _D * 4,
            transcendentals=0,
        ),
    )
    return run(xf, pe)


def _hybrid_kernel(x, pos_embed):
    B, S, D = x.shape
    xf = x.reshape(B * S, D)
    pe = pos_embed[:S]
    sc = _sc_flat(xf, pe)
    tc = _tc_flat_full(xf, pe)
    out = lax.dynamic_update_slice(tc, sc, (_TC_ROWS, 0))
    return out.reshape(B, S, D)


def _tc_flat_full(xf, pe):
    per = _S // S_BLK
    return pl.pallas_call(
        _tc_flat_body,
        grid=(_TC_ROWS // S_BLK,),
        in_specs=[
            pl.BlockSpec((S_BLK, _D), lambda i: (i, 0)),
            pl.BlockSpec((S_BLK, _D), lambda i: (i % per, 0)),
        ],
        out_specs=pl.BlockSpec((S_BLK, _D), lambda i: (i, 0)),
        out_shape=jax.ShapeDtypeStruct((_B * _S, _D), xf.dtype),
    )(xf, pe)


def kernel(x, pos_embed):
    return _hybrid_kernel(x, pos_embed)

# --- scband reference (transcript-rebuilt; emitter-appended) ---
"""Pipeline reference for scband-positional-encoding-lut-3891240370576 (READ-ONLY COPY).

The authoritative reference and input builder live on the scoring server;
editing this copy changes nothing except your own understanding.
"""

import jax, jax.numpy as jnp
import numpy as np

D_MODEL = 1024
MAX_LEN = 8192
BATCH = 4
SEQ_LEN = 8192


def setup_inputs(seed: int = 0) -> dict:
    key = jax.random.key(seed)
    k_x, k_w = jax.random.split(key)
    x = jax.random.normal(k_x, (BATCH, SEQ_LEN, D_MODEL), dtype=jnp.float32)
    # kaiming normal fan_in: std = sqrt(2 / fan_in); for Embedding weight [max_len, d_model], fan_in = d_model
    std = float(np.sqrt(2.0 / D_MODEL))
    pos_embed = jax.random.normal(k_w, (MAX_LEN, D_MODEL), dtype=jnp.float32) * std
    return {"x": x, "pos_embed": pos_embed}


def reference(x, pos_embed):
    batch_size, seq_len, _ = x.shape
    positions = jnp.arange(seq_len)  # [S]
    positions = jnp.broadcast_to(positions[None, :], (batch_size, seq_len))  # [B, S]
    pe = jnp.take(pos_embed, positions, axis=0)  # [B, S, D] gather
    out = x + pe
    # dropout is identity in eval/inference mode
    return out

if __name__ == "__main__":
    import jax
    _d = setup_inputs()
    print(jax.jit(kernel)(*tuple(_d.values())))

</pallas_src>

<mosaic_0001>
#map = affine_map<(d0, d1) -> (0, 0)>
module attributes {stable_mosaic.version = 14 : i64} {
  func.func @_sc_flat_body(%arg0: i32, %arg1: i32, %arg2: memref<32768x1024xf32, #tpu.memory_space<hbm>>, %arg3: memref<8192x1024xf32, #tpu.memory_space<hbm>>, %arg4: memref<6144x1024xf32, #tpu.memory_space<hbm>>, %arg5: memref<16x1024xf32, #tpu.memory_space<vmem>>, %arg6: memref<16x1024xf32, #tpu.memory_space<vmem>>, %arg7: memref<16x1024xf32, #tpu.memory_space<vmem>>, %arg8: memref<16x1024xf32, #tpu.memory_space<vmem>>, %arg9: memref<16x1024xf32, #tpu.memory_space<vmem>>, %arg10: memref<16x1024xf32, #tpu.memory_space<vmem>>, %arg11: memref<!tpu.dma_semaphore, #tpu.memory_space<semaphore_mem>>, %arg12: memref<!tpu.dma_semaphore, #tpu.memory_space<semaphore_mem>>, %arg13: memref<!tpu.dma_semaphore, #tpu.memory_space<semaphore_mem>>, %arg14: memref<!tpu.dma_semaphore, #tpu.memory_space<semaphore_mem>>, %arg15: memref<!tpu.dma_semaphore, #tpu.memory_space<semaphore_mem>>, %arg16: memref<!tpu.dma_semaphore, #tpu.memory_space<semaphore_mem>>) attributes {dimension_semantics = [#tpu.dimension_semantics<core_parallel>, #tpu.dimension_semantics<subcore_parallel>], iteration_bounds = array<i64: 2, 16>, scalar_prefetch = 0 : i64, scratch_operands = 12 : i64, tpu.core_type = #tpu.core_type<sc_vector_subcore>, window_params = [{transform_indices = #map}, {transform_indices = #map}, {transform_indices = #map}]} {
    %mul3A = arith.constant 2 : i32
    %mul3A_0 = arith.muli %arg1, %mul3A : i32
    %add3A = arith.addi %mul3A_0, %arg0 : i32
    %mul3A_1 = arith.constant 192 : i32
    %mul3A_2 = arith.muli %add3A, %mul3A_1 : i32
    %add3A_3 = arith.constant 26624 : i32
    %add3A_4 = arith.addi %add3A_3, %mul3A_2 : i32
    %add3A_5 = arith.constant 0 : i32
    %add3A_6 = arith.addi %add3A_4, %add3A_5 : i32
    %multiple_of3A = tpu.assume_multiple %add3A_6, 16 : i32
    %and3A = arith.constant 8191 : i32
    %and3A_7 = arith.andi %add3A_6, %and3A : i32
    %multiple_of3A_8 = tpu.assume_multiple %and3A_7, 16 : i32
    %sub3A = arith.constant 26624 : i32
    %sub3A_9 = arith.subi %add3A_6, %sub3A : i32
    %multiple_of3A_10 = tpu.assume_multiple %sub3A_9, 16 : i32
    %dma_start3A = arith.constant 0 : i32
    %dma_start3A_11 = tpu.memref_slice %arg2[%multiple_of3A, %dma_start3A] : memref<32768x1024xf32, #tpu.memory_space<hbm>> -> memref<16x1024xf32, #tpu.memory_space<hbm>>
    %dma_start3A_12 = arith.constant 0 : i32
    %dma_start3A_13 = tpu.memref_slice %arg2[%multiple_of3A, %dma_start3A_12] : memref<32768x1024xf32, #tpu.memory_space<hbm>> -> memref<16x1024xf32, #tpu.memory_space<hbm>>
    tpu.enqueue_dma source(%dma_start3A_13 : memref<16x1024xf32, #tpu.memory_space<hbm>>) target(%arg5 : memref<16x1024xf32, #tpu.memory_space<vmem>>) target_semaphore(%arg11 : memref<!tpu.dma_semaphore, #tpu.memory_space<semaphore_mem>>)
    %dma_start3A_14 = arith.constant 0 : i32
    %dma_start3A_15 = tpu.memref_slice %arg3[%multiple_of3A_8, %dma_start3A_14] : memref<8192x1024xf32, #tpu.memory_space<hbm>> -> memref<16x1024xf32, #tpu.memory_space<hbm>>
    %dma_start3A_16 = arith.constant 0 : i32
    %dma_start3A_17 = tpu.memref_slice %arg3[%multiple_of3A_8, %dma_start3A_16] : memref<8192x1024xf32, #tpu.memory_space<hbm>> -> memref<16x1024xf32, #tpu.memory_space<hbm>>
    tpu.enqueue_dma source(%dma_start3A_17 : memref<16x1024xf32, #tpu.memory_space<hbm>>) target(%arg9 : memref<16x1024xf32, #tpu.memory_space<vmem>>) target_semaphore(%arg15 : memref<!tpu.dma_semaphore, #tpu.memory_space<semaphore_mem>>)
    %scan3A = arith.constant 0 : i32
    %scan3A_18 = arith.constant 6 : i32
    %scan3A_19 = arith.addi %scan3A, %scan3A_18 : i32
    %scan3A_20 = arith.constant 1 : i32
    scf.for %scan3A_33 = %scan3A to %scan3A_19 step %scan3A_20  : i32 {
      %mul3A_34 = arith.constant 1 : i32
      %mul3A_35 = arith.muli %scan3A_33, %mul3A_34 : i32
      %add3A_36 = arith.constant 0 : i32
      %add3A_37 = arith.addi %add3A_36, %mul3A_35 : i32
      %mul3A_38 = arith.constant 2 : i32
      %mul3A_39 = arith.muli %add3A_37, %mul3A_38 : i32
      %add3A_40 = arith.constant 0 : i32
      %add3A_41 = arith.addi %mul3A_39, %add3A_40 : i32
      %ge3A = arith.constant 2 : i32
      %ge3A_42 = arith.cmpi sge, %add3A_41, %ge3A : i32
      %convert_element_type3A = arith.extui %ge3A_42 : i1 to i32
      %cond3A = arith.constant 0 : i32
      %cond3A_43 = arith.cmpi ne, %convert_element_type3A, %cond3A : i32
      scf.if %cond3A_43 {
        %dma_wait3A_119 = arith.constant 0 : i32
        %dma_wait3A_120 = arith.constant 0 : i32
        %dma_wait3A_121 = tpu.memref_slice %arg2[%dma_wait3A_119, %dma_wait3A_120] : memref<32768x1024xf32, #tpu.memory_space<hbm>> -> memref<16x1024xf32, #tpu.memory_space<hbm>>
        %dma_wait3A_122 = arith.constant 0 : i32
        %dma_wait3A_123 = arith.constant 0 : i32
        %dma_wait3A_124 = tpu.memref_slice %arg2[%dma_wait3A_122, %dma_wait3A_123] : memref<32768x1024xf32, #tpu.memory_space<hbm>> -> memref<16x1024xf32, #tpu.memory_space<hbm>>
        tpu.wait_dma2 semaphore(%arg13 : memref<!tpu.dma_semaphore, #tpu.memory_space<semaphore_mem>>) src(%dma_wait3A_124 : memref<16x1024xf32, #tpu.memory_space<hbm>>) dst(%arg7 : memref<16x1024xf32, #tpu.memory_space<vmem>>)
      } else {
      }
      %dma_wait3A_44 = arith.constant 0 : i32
      %dma_wait3A_45 = arith.constant 0 : i32
      %dma_wait3A_46 = tpu.memref_slice %arg2[%dma_wait3A_44, %dma_wait3A_45] : memref<32768x1024xf32, #tpu.memory_space<hbm>> -> memref<16x1024xf32, #tpu.memory_space<hbm>>
      %dma_wait3A_47 = arith.constant 0 : i32
      %dma_wait3A_48 = arith.constant 0 : i32
      %dma_wait3A_49 = tpu.memref_slice %arg2[%dma_wait3A_47, %dma_wait3A_48] : memref<32768x1024xf32, #tpu.memory_space<hbm>> -> memref<16x1024xf32, #tpu.memory_space<hbm>>
      tpu.wait_dma2 semaphore(%arg11 : memref<!tpu.dma_semaphore, #tpu.memory_space<semaphore_mem>>) src(%dma_wait3A_49 : memref<16x1024xf32, #tpu.memory_space<hbm>>) dst(%arg5 : memref<16x1024xf32, #tpu.memory_space<vmem>>)
      %dma_wait3A_50 = arith.constant 0 : i32
      %dma_wait3A_51 = arith.constant 0 : i32
      %dma_wait3A_52 = tpu.memref_slice %arg3[%dma_wait3A_50, %dma_wait3A_51] : memref<8192x1024xf32, #tpu.memory_space<hbm>> -> memref<16x1024xf32, #tpu.memory_space<hbm>>
      %dma_wait3A_53 = arith.constant 0 : i32
      %dma_wait3A_54 = arith.constant 0 : i32
      %dma_wait3A_55 = tpu.memref_slice %arg3[%dma_wait3A_53, %dma_wait3A_54] : memref<8192x1024xf32, #tpu.memory_space<hbm>> -> memref<16x1024xf32, #tpu.memory_space<hbm>>
      tpu.wait_dma2 semaphore(%arg15 : memref<!tpu.dma_semaphore, #tpu.memory_space<semaphore_mem>>) src(%dma_wait3A_55 : memref<16x1024xf32, #tpu.memory_space<hbm>>) dst(%arg9 : memref<16x1024xf32, #tpu.memory_space<vmem>>)
      %lt3A = arith.constant 11 : i32
      %lt3A_56 = arith.cmpi slt, %add3A_41, %lt3A : i32
      %convert_element_type3A_57 = arith.extui %lt3A_56 : i1 to i32
      %cond3A_58 = arith.constant 0 : i32
      %cond3A_59 = arith.cmpi ne, %convert_element_type3A_57, %cond3A_58 : i32
      scf.if %cond3A_59 {
        %add3A_119 = arith.constant 1 : i32
        %add3A_120 = arith.addi %add3A_41, %add3A_119 : i32
        %mul3A_121 = arith.constant 16 : i32
        %mul3A_122 = arith.muli %add3A_120, %mul3A_121 : i32
        %add3A_123 = arith.addi %add3A_4, %mul3A_122 : i32
        %multiple_of3A_124 = tpu.assume_multiple %add3A_123, 16 : i32
        %and3A_125 = arith.constant 8191 : i32
        %and3A_126 = arith.andi %add3A_123, %and3A_125 : i32
        %multiple_of3A_127 = tpu.assume_multiple %and3A_126, 16 : i32
        %sub3A_128 = arith.constant 26624 : i32
        %sub3A_129 = arith.subi %add3A_123, %sub3A_128 : i32
        %multiple_of3A_130 = tpu.assume_multiple %sub3A_129, 16 : i32
        %dma_start3A_131 = arith.constant 0 : i32
        %dma_start3A_132 = tpu.memref_slice %arg2[%multiple_of3A_124, %dma_start3A_131] : memref<32768x1024xf32, #tpu.memory_space<hbm>> -> memref<16x1024xf32, #tpu.memory_space<hbm>>
        %dma_start3A_133 = arith.constant 0 : i32
        %dma_start3A_134 = tpu.memref_slice %arg2[%multiple_of3A_124, %dma_start3A_133] : memref<32768x1024xf32, #tpu.memory_space<hbm>> -> memref<16x1024xf32, #tpu.memory_space<hbm>>
        tpu.enqueue_dma source(%dma_start3A_134 : memref<16x1024xf32, #tpu.memory_space<hbm>>) target(%arg6 : memref<16x1024xf32, #tpu.memory_space<vmem>>) target_semaphore(%arg12 : memref<!tpu.dma_semaphore, #tpu.memory_space<semaphore_mem>>)
        %dma_start3A_135 = arith.constant 0 : i32
        %dma_start3A_136 = tpu.memref_slice %arg3[%multiple_of3A_127, %dma_start3A_135] : memref<8192x1024xf32, #tpu.memory_space<hbm>> -> memref<16x1024xf32, #tpu.memory_space<hbm>>
        %dma_start3A_137 = arith.constant 0 : i32
        %dma_start3A_138 = tpu.memref_slice %arg3[%multiple_of3A_127, %dma_start3A_137] : memref<8192x1024xf32, #tpu.memory_space<hbm>> -> memref<16x1024xf32, #tpu.memory_space<hbm>>
        tpu.enqueue_dma source(%dma_start3A_138 : memref<16x1024xf32, #tpu.memory_space<hbm>>) target(%arg10 : memref<16x1024xf32, #tpu.memory_space<vmem>>) target_semaphore(%arg16 : memref<!tpu.dma_semaphore, #tpu.memory_space<semaphore_mem>>)
      } else {
      }
      %parallel_loop3A = arith.constant 0 : i32
      %parallel_loop3A_60 = arith.constant 1024 : i32
      %parallel_loop3A_61 = arith.constant 1 : i32
      scf.for %parallel_loop3A_119 = %parallel_loop3A to %parallel_loop3A_60 step %parallel_loop3A_61  : i32 {
        %parallel_loop3A_120 = arith.constant 6 : i32
        %parallel_loop3A_121 = arith.shrsi %parallel_loop3A_119, %parallel_loop3A_120 : i32
        %parallel_loop3A_122 = arith.constant 63 : i32
        %parallel_loop3A_123 = arith.andi %parallel_loop3A_119, %parallel_loop3A_122 : i32
        %parallel_loop3A_124 = arith.constant 16 : i32
        %parallel_loop3A_125 = arith.muli %parallel_loop3A_123, %parallel_loop3A_124 : i32
        %parallel_loop3A_126 = arith.index_cast %parallel_loop3A_121 : i32 to index
        %parallel_loop3A_127 = arith.index_cast %parallel_loop3A_125 : i32 to index
        %parallel_loop3A_128 = tpu.vector_load %arg5[%parallel_loop3A_126, %parallel_loop3A_127] {strides = array<i32>} : memref<16x1024xf32, #tpu.memory_space<vmem>>, vector<1x16xf32>,
        %parallel_loop3A_129 = vector.shape_cast %parallel_loop3A_128 : vector<1x16xf32> to vector<16xf32>
        %parallel_loop3A_130 = arith.index_cast %parallel_loop3A_121 : i32 to index
        %parallel_loop3A_131 = arith.index_cast %parallel_loop3A_125 : i32 to index
        %parallel_loop3A_132 = tpu.vector_load %arg9[%parallel_loop3A_130, %parallel_loop3A_131] {strides = array<i32>} : memref<16x1024xf32, #tpu.memory_space<vmem>>, vector<1x16xf32>,
        %parallel_loop3A_133 = vector.shape_cast %parallel_loop3A_132 : vector<1x16xf32> to vector<16xf32>
        %parallel_loop3A_134 = arith.addf %parallel_loop3A_129, %parallel_loop3A_133 : vector<16xf32>
        %parallel_loop3A_135 = arith.index_cast %parallel_loop3A_121 : i32 to index
        %parallel_loop3A_136 = arith.index_cast %parallel_loop3A_125 : i32 to index
        %parallel_loop3A_137 = tpu.vector_load %arg7[%parallel_loop3A_135, %parallel_loop3A_136] {strides = array<i32>} : memref<16x1024xf32, #tpu.memory_space<vmem>>, vector<1x16xf32>,
        %parallel_loop3A_138 = vector.shape_cast %parallel_loop3A_137 : vector<1x16xf32> to vector<16xf32>
        %parallel_loop3A_139 = vector.shape_cast %parallel_loop3A_134 : vector<16xf32> to vector<1x16xf32>
        tpu.vector_store %arg7[%parallel_loop3A_135, %parallel_loop3A_136], %parallel_loop3A_139 {strides = array<i32>} : memref<16x1024xf32, #tpu.memory_space<vmem>>, vector<1x16xf32>,
      } {sc.loop_unroll_factor = 8 : i64, sc.parallel_access}
      %mul3A_62 = arith.constant 16 : i32
      %mul3A_63 = arith.muli %add3A_41, %mul3A_62 : i32
      %add3A_64 = arith.addi %add3A_4, %mul3A_63 : i32
      %multiple_of3A_65 = tpu.assume_multiple %add3A_64, 16 : i32
      %and3A_66 = arith.constant 8191 : i32
      %and3A_67 = arith.andi %add3A_64, %and3A_66 : i32
      %multiple_of3A_68 = tpu.assume_multiple %and3A_67, 16 : i32
      %sub3A_69 = arith.constant 26624 : i32
      %sub3A_70 = arith.subi %add3A_64, %sub3A_69 : i32
      %multiple_of3A_71 = tpu.assume_multiple %sub3A_70, 16 : i32
      %dma_start3A_72 = arith.constant 0 : i32
      %dma_start3A_73 = tpu.memref_slice %arg4[%multiple_of3A_71, %dma_start3A_72] : memref<6144x1024xf32, #tpu.memory_space<hbm>> -> memref<16x1024xf32, #tpu.memory_space<hbm>>
      %dma_start3A_74 = arith.constant 0 : i32
      %dma_start3A_75 = tpu.memref_slice %arg4[%multiple_of3A_71, %dma_start3A_74] : memref<6144x1024xf32, #tpu.memory_space<hbm>> -> memref<16x1024xf32, #tpu.memory_space<hbm>>
      tpu.enqueue_dma source(%arg7 : memref<16x1024xf32, #tpu.memory_space<vmem>>) target(%dma_start3A_75 : memref<16x1024xf32, #tpu.memory_space<hbm>>) target_semaphore(%arg13 : memref<!tpu.dma_semaphore, #tpu.memory_space<semaphore_mem>>)
      %mul3A_76 = arith.constant 2 : i32
      %mul3A_77 = arith.muli %add3A_37, %mul3A_76 : i32
      %add3A_78 = arith.constant 1 : i32
      %add3A_79 = arith.addi %mul3A_77, %add3A_78 : i32
      %ge3A_80 = arith.constant 2 : i32
      %ge3A_81 = arith.cmpi sge, %add3A_79, %ge3A_80 : i32
      %convert_element_type3A_82 = arith.extui %ge3A_81 : i1 to i32
      %cond3A_83 = arith.constant 0 : i32
      %cond3A_84 = arith.cmpi ne, %convert_element_type3A_82, %cond3A_83 : i32
      scf.if %cond3A_84 {
        %dma_wait3A_119 = arith.constant 0 : i32
        %dma_wait3A_120 = arith.constant 0 : i32
        %dma_wait3A_121 = tpu.memref_slice %arg2[%dma_wait3A_119, %dma_wait3A_120] : memref<32768x1024xf32, #tpu.memory_space<hbm>> -> memref<16x1024xf32, #tpu.memory_space<hbm>>
        %dma_wait3A_122 = arith.constant 0 : i32
        %dma_wait3A_123 = arith.constant 0 : i32
        %dma_wait3A_124 = tpu.memref_slice %arg2[%dma_wait3A_122, %dma_wait3A_123] : memref<32768x1024xf32, #tpu.memory_space<hbm>> -> memref<16x1024xf32, #tpu.memory_space<hbm>>
        tpu.wait_dma2 semaphore(%arg14 : memref<!tpu.dma_semaphore, #tpu.memory_space<semaphore_mem>>) src(%dma_wait3A_124 : memref<16x1024xf32, #tpu.memory_space<hbm>>) dst(%arg8 : memref<16x1024xf32, #tpu.memory_space<vmem>>)
      } else {
      }
      %dma_wait3A_85 = arith.constant 0 : i32
      %dma_wait3A_86 = arith.constant 0 : i32
      %dma_wait3A_87 = tpu.memref_slice %arg2[%dma_wait3A_85, %dma_wait3A_86] : memref<32768x1024xf32, #tpu.memory_space<hbm>> -> memref<16x1024xf32, #tpu.memory_space<hbm>>
      %dma_wait3A_88 = arith.constant 0 : i32
      %dma_wait3A_89 = arith.constant 0 : i32
      %dma_wait3A_90 = tpu.memref_slice %arg2[%dma_wait3A_88, %dma_wait3A_89] : memref<32768x1024xf32, #tpu.memory_space<hbm>> -> memref<16x1024xf32, #tpu.memory_space<hbm>>
      tpu.wait_dma2 semaphore(%arg12 : memref<!tpu.dma_semaphore, #tpu.memory_space<semaphore_mem>>) src(%dma_wait3A_90 : memref<16x1024xf32, #tpu.memory_space<hbm>>) dst(%arg6 : memref<16x1024xf32, #tpu.memory_space<vmem>>)
      %dma_wait3A_91 = arith.constant 0 : i32
      %dma_wait3A_92 = arith.constant 0 : i32
      %dma_wait3A_93 = tpu.memref_slice %arg3[%dma_wait3A_91, %dma_wait3A_92] : memref<8192x1024xf32, #tpu.memory_space<hbm>> -> memref<16x1024xf32, #tpu.memory_space<hbm>>
      %dma_wait3A_94 = arith.constant 0 : i32
      %dma_wait3A_95 = arith.constant 0 : i32
      %dma_wait3A_96 = tpu.memref_slice %arg3[%dma_wait3A_94, %dma_wait3A_95] : memref<8192x1024xf32, #tpu.memory_space<hbm>> -> memref<16x1024xf32, #tpu.memory_space<hbm>>
      tpu.wait_dma2 semaphore(%arg16 : memref<!tpu.dma_semaphore, #tpu.memory_space<semaphore_mem>>) src(%dma_wait3A_96 : memref<16x1024xf32, #tpu.memory_space<hbm>>) dst(%arg10 : memref<16x1024xf32, #tpu.memory_space<vmem>>)
      %lt3A_97 = arith.constant 11 : i32
      %lt3A_98 = arith.cmpi slt, %add3A_79, %lt3A_97 : i32
      %convert_element_type3A_99 = arith.extui %lt3A_98 : i1 to i32
      %cond3A_100 = arith.constant 0 : i32
      %cond3A_101 = arith.cmpi ne, %convert_element_type3A_99, %cond3A_100 : i32
      scf.if %cond3A_101 {
        %add3A_119 = arith.constant 1 : i32
        %add3A_120 = arith.addi %add3A_79, %add3A_119 : i32
        %mul3A_121 = arith.constant 16 : i32
        %mul3A_122 = arith.muli %add3A_120, %mul3A_121 : i32
        %add3A_123 = arith.addi %add3A_4, %mul3A_122 : i32
        %multiple_of3A_124 = tpu.assume_multiple %add3A_123, 16 : i32
        %and3A_125 = arith.constant 8191 : i32
        %and3A_126 = arith.andi %add3A_123, %and3A_125 : i32
        %multiple_of3A_127 = tpu.assume_multiple %and3A_126, 16 : i32
        %sub3A_128 = arith.constant 26624 : i32
        %sub3A_129 = arith.subi %add3A_123, %sub3A_128 : i32
        %multiple_of3A_130 = tpu.assume_multiple %sub3A_129, 16 : i32
        %dma_start3A_131 = arith.constant 0 : i32
        %dma_start3A_132 = tpu.memref_slice %arg2[%multiple_of3A_124, %dma_start3A_131] : memref<32768x1024xf32, #tpu.memory_space<hbm>> -> memref<16x1024xf32, #tpu.memory_space<hbm>>
        %dma_start3A_133 = arith.constant 0 : i32
        %dma_start3A_134 = tpu.memref_slice %arg2[%multiple_of3A_124, %dma_start3A_133] : memref<32768x1024xf32, #tpu.memory_space<hbm>> -> memref<16x1024xf32, #tpu.memory_space<hbm>>
        tpu.enqueue_dma source(%dma_start3A_134 : memref<16x1024xf32, #tpu.memory_space<hbm>>) target(%arg5 : memref<16x1024xf32, #tpu.memory_space<vmem>>) target_semaphore(%arg11 : memref<!tpu.dma_semaphore, #tpu.memory_space<semaphore_mem>>)
        %dma_start3A_135 = arith.constant 0 : i32
        %dma_start3A_136 = tpu.memref_slice %arg3[%multiple_of3A_127, %dma_start3A_135] : memref<8192x1024xf32, #tpu.memory_space<hbm>> -> memref<16x1024xf32, #tpu.memory_space<hbm>>
        %dma_start3A_137 = arith.constant 0 : i32
        %dma_start3A_138 = tpu.memref_slice %arg3[%multiple_of3A_127, %dma_start3A_137] : memref<8192x1024xf32, #tpu.memory_space<hbm>> -> memref<16x1024xf32, #tpu.memory_space<hbm>>
        tpu.enqueue_dma source(%dma_start3A_138 : memref<16x1024xf32, #tpu.memory_space<hbm>>) target(%arg9 : memref<16x1024xf32, #tpu.memory_space<vmem>>) target_semaphore(%arg15 : memref<!tpu.dma_semaphore, #tpu.memory_space<semaphore_mem>>)
      } else {
      }
      %parallel_loop3A_102 = arith.constant 0 : i32
      %parallel_loop3A_103 = arith.constant 1024 : i32
      %parallel_loop3A_104 = arith.constant 1 : i32
      scf.for %parallel_loop3A_119 = %parallel_loop3A_102 to %parallel_loop3A_103 step %parallel_loop3A_104  : i32 {
        %parallel_loop3A_120 = arith.constant 6 : i32
        %parallel_loop3A_121 = arith.shrsi %parallel_loop3A_119, %parallel_loop3A_120 : i32
        %parallel_loop3A_122 = arith.constant 63 : i32
        %parallel_loop3A_123 = arith.andi %parallel_loop3A_119, %parallel_loop3A_122 : i32
        %parallel_loop3A_124 = arith.constant 16 : i32
        %parallel_loop3A_125 = arith.muli %parallel_loop3A_123, %parallel_loop3A_124 : i32
        %parallel_loop3A_126 = arith.index_cast %parallel_loop3A_121 : i32 to index
        %parallel_loop3A_127 = arith.index_cast %parallel_loop3A_125 : i32 to index
        %parallel_loop3A_128 = tpu.vector_load %arg6[%parallel_loop3A_126, %parallel_loop3A_127] {strides = array<i32>} : memref<16x1024xf32, #tpu.memory_space<vmem>>, vector<1x16xf32>,
        %parallel_loop3A_129 = vector.shape_cast %parallel_loop3A_128 : vector<1x16xf32> to vector<16xf32>
        %parallel_loop3A_130 = arith.index_cast %parallel_loop3A_121 : i32 to index
        %parallel_loop3A_131 = arith.index_cast %parallel_loop3A_125 : i32 to index
        %parallel_loop3A_132 = tpu.vector_load %arg10[%parallel_loop3A_130, %parallel_loop3A_131] {strides = array<i32>} : memref<16x1024xf32, #tpu.memory_space<vmem>>, vector<1x16xf32>,
        %parallel_loop3A_133 = vector.shape_cast %parallel_loop3A_132 : vector<1x16xf32> to vector<16xf32>
        %parallel_loop3A_134 = arith.addf %parallel_loop3A_129, %parallel_loop3A_133 : vector<16xf32>
        %parallel_loop3A_135 = arith.index_cast %parallel_loop3A_121 : i32 to index
        %parallel_loop3A_136 = arith.index_cast %parallel_loop3A_125 : i32 to index
        %parallel_loop3A_137 = tpu.vector_load %arg8[%parallel_loop3A_135, %parallel_loop3A_136] {strides = array<i32>} : memref<16x1024xf32, #tpu.memory_space<vmem>>, vector<1x16xf32>,
        %parallel_loop3A_138 = vector.shape_cast %parallel_loop3A_137 : vector<1x16xf32> to vector<16xf32>
        %parallel_loop3A_139 = vector.shape_cast %parallel_loop3A_134 : vector<16xf32> to vector<1x16xf32>
        tpu.vector_store %arg8[%parallel_loop3A_135, %parallel_loop3A_136], %parallel_loop3A_139 {strides = array<i32>} : memref<16x1024xf32, #tpu.memory_space<vmem>>, vector<1x16xf32>,
      } {sc.loop_unroll_factor = 8 : i64, sc.parallel_access}
      %mul3A_105 = arith.constant 16 : i32
      %mul3A_106 = arith.muli %add3A_79, %mul3A_105 : i32
      %add3A_107 = arith.addi %add3A_4, %mul3A_106 : i32
      %multiple_of3A_108 = tpu.assume_multiple %add3A_107, 16 : i32
      %and3A_109 = arith.constant 8191 : i32
      %and3A_110 = arith.andi %add3A_107, %and3A_109 : i32
      %multiple_of3A_111 = tpu.assume_multiple %and3A_110, 16 : i32
      %sub3A_112 = arith.constant 26624 : i32
      %sub3A_113 = arith.subi %add3A_107, %sub3A_112 : i32
      %multiple_of3A_114 = tpu.assume_multiple %sub3A_113, 16 : i32
      %dma_start3A_115 = arith.constant 0 : i32
      %dma_start3A_116 = tpu.memref_slice %arg4[%multiple_of3A_114, %dma_start3A_115] : memref<6144x1024xf32, #tpu.memory_space<hbm>> -> memref<16x1024xf32, #tpu.memory_space<hbm>>
      %dma_start3A_117 = arith.constant 0 : i32
      %dma_start3A_118 = tpu.memref_slice %arg4[%multiple_of3A_114, %dma_start3A_117] : memref<6144x1024xf32, #tpu.memory_space<hbm>> -> memref<16x1024xf32, #tpu.memory_space<hbm>>
      tpu.enqueue_dma source(%arg8 : memref<16x1024xf32, #tpu.memory_space<vmem>>) target(%dma_start3A_118 : memref<16x1024xf32, #tpu.memory_space<hbm>>) target_semaphore(%arg14 : memref<!tpu.dma_semaphore, #tpu.memory_space<semaphore_mem>>)
    }
    %scan3A_21 = arith.constant 6 : i32
    %dma_wait3A = arith.constant 0 : i32
    %dma_wait3A_22 = arith.constant 0 : i32
    %dma_wait3A_23 = tpu.memref_slice %arg2[%dma_wait3A, %dma_wait3A_22] : memref<32768x1024xf32, #tpu.memory_space<hbm>> -> memref<16x1024xf32, #tpu.memory_space<hbm>>
    %dma_wait3A_24 = arith.constant 0 : i32
    %dma_wait3A_25 = arith.constant 0 : i32
    %dma_wait3A_26 = tpu.memref_slice %arg2[%dma_wait3A_24, %dma_wait3A_25] : memref<32768x1024xf32, #tpu.memory_space<hbm>> -> memref<16x1024xf32, #tpu.memory_space<hbm>>
    tpu.wait_dma2 semaphore(%arg13 : memref<!tpu.dma_semaphore, #tpu.memory_space<semaphore_mem>>) src(%dma_wait3A_26 : memref<16x1024xf32, #tpu.memory_space<hbm>>) dst(%arg7 : memref<16x1024xf32, #tpu.memory_space<vmem>>)
    %dma_wait3A_27 = arith.constant 0 : i32
    %dma_wait3A_28 = arith.constant 0 : i32
    %dma_wait3A_29 = tpu.memref_slice %arg2[%dma_wait3A_27, %dma_wait3A_28] : memref<32768x1024xf32, #tpu.memory_space<hbm>> -> memref<16x1024xf32, #tpu.memory_space<hbm>>
    %dma_wait3A_30 = arith.constant 0 : i32
    %dma_wait3A_31 = arith.constant 0 : i32
    %dma_wait3A_32 = tpu.memref_slice %arg2[%dma_wait3A_30, %dma_wait3A_31] : memref<32768x1024xf32, #tpu.memory_space<hbm>> -> memref<16x1024xf32, #tpu.memory_space<hbm>>
    tpu.wait_dma2 semaphore(%arg14 : memref<!tpu.dma_semaphore, #tpu.memory_space<semaphore_mem>>) src(%dma_wait3A_32 : memref<16x1024xf32, #tpu.memory_space<hbm>>) dst(%arg8 : memref<16x1024xf32, #tpu.memory_space<vmem>>)
    return
  }
}

module attributes {stable_mosaic.version = 14 : i64} {
  func.func @_tc_flat_body(%arg0: i32, %arg1: memref<512x1024xf32, #tpu.memory_space<vmem>>, %arg2: memref<512x1024xf32, #tpu.memory_space<vmem>>, %arg3: memref<512x1024xf32, #tpu.memory_space<vmem>>) attributes {dimension_semantics = [#tpu.dimension_semantics<arbitrary>], iteration_bounds = array<i64: 52>, scalar_prefetch = 0 : i64, scratch_operands = 0 : i64, tpu.core_type = #tpu.core_type<tc>, window_params = [{transform_indices = @transform_0, window_bounds = array<i64: 512, 1024>}, {transform_indices = @transform_1, window_bounds = array<i64: 512, 1024>}, {transform_indices = @transform_2, window_bounds = array<i64: 512, 1024>}]} {
    %get3A = arith.constant 0 : index
    %get3A_0 = arith.constant 0 : index
    %get3A_1 = vector.load %arg1[%get3A, %get3A_0] : memref<512x1024xf32, #tpu.memory_space<vmem>>, vector<512x1024xf32>
    %get3A_2 = arith.constant 0 : index
    %get3A_3 = arith.constant 0 : index
    %get3A_4 = vector.load %arg2[%get3A_2, %get3A_3] : memref<512x1024xf32, #tpu.memory_space<vmem>>, vector<512x1024xf32>
    %add3A = arith.addf %get3A_1, %get3A_4 : vector<512x1024xf32>
    %swap3A = arith.constant 0 : index
    %swap3A_5 = arith.constant 0 : index
    %swap3A_6 = vector.load %arg3[%swap3A, %swap3A_5] : memref<512x1024xf32, #tpu.memory_space<vmem>>, vector<512x1024xf32>
    tpu.vector_store %arg3[%swap3A, %swap3A_5], %add3A {strides = array<i32>} : memref<512x1024xf32, #tpu.memory_space<vmem>>, vector<512x1024xf32>,
    return
  }
  func.func @transform_0(%arg0: i32) -> (i32, i32) {
    %c0_i32 = arith.constant 0 : i32
    %c0_i32_0 = arith.constant 0 : i32
    return %arg0, %c0_i32 : i32, i32
  }
  func.func @transform_1(%arg0: i32) -> (i32, i32) {
    %jit3A = arith.constant 16 : i32
    %eq3A = arith.constant 0 : i32
    %eq3A_0 = arith.cmpi eq, %jit3A, %eq3A : i32
    %jit3A_1 = arith.constant 1 : i32
    %select_n3A = arith.select %eq3A_0, %jit3A_1, %jit3A : i32
    %rem3A = arith.remsi %arg0, %select_n3A : i32
    %ne3A = arith.constant 0 : i32
    %ne3A_2 = arith.cmpi ne, %rem3A, %ne3A : i32
    %lt3A = arith.constant 0 : i32
    %lt3A_3 = arith.cmpi slt, %rem3A, %lt3A : i32
    %lt3A_4 = arith.constant 0 : i32
    %lt3A_5 = arith.cmpi slt, %select_n3A, %lt3A_4 : i32
    %ne3A_6 = arith.xori %lt3A_3, %lt3A_5 : i1
    %and3A = arith.andi %ne3A_6, %ne3A_2 : i1
    %add3A = arith.addi %rem3A, %select_n3A : i32
    %select_n3A_7 = arith.select %and3A, %add3A, %rem3A : i32
    %c0_i32 = arith.constant 0 : i32
    %c0_i32_8 = arith.constant 0 : i32
    return %select_n3A_7, %c0_i32 : i32, i32
  }
  func.func @transform_2(%arg0: i32) -> (i32, i32) {
    %c0_i32 = arith.constant 0 : i32
    %c0_i32_0 = arith.constant 0 : i32
    return %arg0, %c0_i32 : i32, i32
  }
}

</mosaic_0001>

<sc_bundles>
// kernel: kernel.4.cloned.1.call-start
scs
__scs_entry_jumppad:
0x0: {  	(pc) =	sbr.rel $0x88, $3  }
0x1: {  	(tag) =	ssettag $0x0;
	lr =	simm.s32 $0x1  }
0x2: {  	[smem:$0x3F9F] =	sst lr;
	_ =	strace $0xD0000000  }
0x3: {  	_ = 	snop  }
0x4: {  	_ = 	snop  }
0x5: {  	_ = 	snop  }
0x6: {  	_ = 	snop  }
0x7: {  	_ = 	snop  }
__scs_overlays_trampoline_lowered:
0x8: {  	[smem:$0x3FAE] =	sst s0  }
0x9: {  	[smem:$0x3FAF] =	sst s1  }
0xa: {  	[smem:$0x3FB0] =	sst s2  }
0xb: {  	[smem:$0x3FB1] =	sst s3  }
0xc: {  	[smem:$0x3FB2] =	sst s4  }
0xd: {  	[smem:$0x3FB3] =	sst s5  }
0xe: {  	[smem:$0x3FB4] =	sst s6  }
0xf: {  	[smem:$0x3FB5] =	sst s7  }
0x10: {  	[smem:$0x3FB6] =	sst s8  }
0x11: {  	[smem:$0x3FB7] =	sst s9;
	s0 =	simm.s32 @!p0 $0x0  }
0x12: {  	s1 =	sld [smem:$0x3F9D];
	s0 =	simm.s32 @p0 $0x1  }
0x13: {  	[smem:$0x3FB8] =	sst s0;
	s0 =	simm.s32 @!p1 $0x0  }
0x14: {  	s2 =	sld [smem:$0x3F9C];
	s0 =	simm.s32 @p1 $0x1  }
0x15: {  	[smem:$0x3FB9] =	sst s0;
	s0 =	simm.s32 @!p2 $0x0  }
0x16: {  	s3 =	sld [smem:$0x3FDB];
	s0 =	simm.s32 @p2 $0x1  }
0x17: {  	s4 =	simm.s32 $0x1BF5;
	[smem:$0x3FBB] =	sst s0  }
0x18: {  	s0 =	sld [smem:$0x3F9E];
	_ =	swait.ge [sflag:s4], $0x0  }
0x19: {  	s7 =	sld [smem:$0x3F9F]  }
0x1a: {  	s8 =	sadd.s32 $0xFFFFE003, lr  }
0x1b: {  	s9 =	sadd.s32 $0xFFFFFEF7, lr;
	s5 =	simm.s32 $0xFFFFFFFF;
	p2 =	slt.u32 s8, $0xFFFFF086  }
0x1c: {  	p1 =	slt.u32 s9, $0xF7A;
	s5 =	simm.s32 @!p2 $0x0  }
0x1d: {  	s5 =	simm.s32 @p1 $0x1;
	p0 =	seq.s32 s7, s2  }
0x1e: {  	s7 =	smul.u32 @!p0 $0xF7A, s2;
	p2 =	seq.s32 @!p0 s5, $0x0  }
0x1f: {  	s9 =	smul.u32 $0xF7A, s1;
	s8 =	simm.s32 @!p0 $0x1BF5;
	p2 =	por !p2, p0  }
0x20: {  	[sflag:s8] =	ssyncset.s32 @!p0 $0xFFFFF086;
	s6 =	sadd.s32 @!p0 s3, s7;
	s7 =	simm.s32 @!p0 $0x108  }
0x21: {  	s3 =	sadd.s32 s3, s9;
	s6 =	sadd.s32 @!p0 $0x88, s6;
	s7 =	simm.s32 @p2 $0x1082  }
0x22: {  	[simem:s7], [sflag:s8] =	dma.local @!p0 [hbm:s6], $0xF7A  }
0x23: {  	s9 =	sor.u32 $0xD0000000, s2;
	s6 =	simm.s32 $0x108;
	_ =	swait.ge @!p0 [sflag:s8], $0x0  }
0x24: {  	s3 =	sadd.s32 $0x88, s3;
	s6 =	simm.s32 @!p1 $0x1082;
	[sflag:s4] =	ssyncset.s32 $0xFFFFF086  }
0x25: {  	[simem:s6], [sflag:s4] =	dma.local [hbm:s3], $0xF7A  }
0x26: {  	[smem:$0x3F9F] =	sst s1;
	(tag) =	ssettag s2;
	_ =	strace s9  }
0x27: {  	s1 =	sld [smem:$0x3FAF]  }
0x28: {  	s2 =	sld [smem:$0x3FB0]  }
0x29: {  	s4 =	sld [smem:$0x3FB2]  }
0x2a: {  	p0 =	seq.s32 s5, $0x0;
	s5 =	sld [smem:$0x3FB3]  }
0x2b: {  	s6 =	sld [smem:$0x3FB4]  }
0x2c: {  	s7 =	sld [smem:$0x3FB5]  }
0x2d: {  	s3 =	simm.s32 $0x108;
	s8 =	sld [smem:$0x3FB6]  }
0x2e: {  	s3 =	simm.s32 @!p0 $0x1082;
	s9 =	sld [smem:$0x3FB7]  }
0x2f: {  	lr =	sadd.s32 s0, s3;
	s0 =	sld [smem:$0x3FAE]  }
0x30: {  	s3 =	sld [smem:$0x3FB1]  }
0x31: {  	[smem:$0x3FBA] =	sst s10  }
0x32: {  	s10 =	sld [smem:$0x3FB8];
	_ =	sdelay $0x3  }
0x33: {  	p0 =	seq.s32 s10, $0x1;
	s10 =	sld [smem:$0x3FBA];
	_ =	sdelay $0x3  }
0x34: {  	[smem:$0x3FBA] =	sst s10  }
0x35: {  	s10 =	sld [smem:$0x3FB9];
	_ =	sdelay $0x3  }
0x36: {  	p1 =	seq.s32 s10, $0x1;
	s10 =	sld [smem:$0x3FBA];
	_ =	sdelay $0x3  }
0x37: {  	[smem:$0x3FBA] =	sst s10  }
0x38: {  	s10 =	sld [smem:$0x3FBB]  }
0x39: {  	_ = 	snop;
	(pc) =	sbr.ind lr, $3  }
0x3a: {  	_ = 	snop  }
0x3b: {  	_ = 	snop  }
0x3c: {  	p2 =	seq.s32 s10, $0x1;
	s10 =	sld [smem:$0x3FBA]  }
0x3d: {  	_ =	shalt  }
0x3e: {  	_ =	shalt  }
0x3f: {  	_ =	shalt  }
0x40: {  	_ =	shalt  }
0x41: {  	_ =	shalt  }
0x42: {  	_ =	shalt  }
0x43: {  	_ =	shalt  }
0x44: {  	_ =	shalt  }
0x45: {  	_ =	shalt  }
0x46: {  	_ =	shalt  }
0x47: {  	_ =	shalt  }
0x48: {  	_ =	shalt  }
0x49: {  	_ =	shalt  }
0x4a: {  	_ =	shalt  }
0x4b: {  	_ =	shalt  }
0x4c: {  	_ =	shalt  }
0x4d: {  	_ =	shalt  }
0x4e: {  	_ =	shalt  }
0x4f: {  	_ =	shalt  }
0x50: {  	_ =	shalt  }
0x51: {  	_ =	shalt  }
0x52: {  	_ =	shalt  }
0x53: {  	_ =	shalt  }
0x54: {  	_ =	shalt  }
0x55: {  	_ =	shalt  }
0x56: {  	_ =	shalt  }
0x57: {  	_ =	shalt  }
0x58: {  	_ =	shalt  }
0x59: {  	_ =	shalt  }
0x5a: {  	_ =	shalt  }
0x5b: {  	_ =	shalt  }
0x5c: {  	_ =	shalt  }
0x5d: {  	_ =	shalt  }
0x5e: {  	_ =	shalt  }
0x5f: {  	_ =	shalt  }
0x60: {  	_ =	shalt  }
0x61: {  	_ =	shalt  }
0x62: {  	_ =	shalt  }
0x63: {  	_ =	shalt  }
0x64: {  	_ =	shalt  }
0x65: {  	_ =	shalt  }
0x66: {  	_ =	shalt  }
0x67: {  	_ =	shalt  }
0x68: {  	_ =	shalt  }
0x69: {  	_ =	shalt  }
0x6a: {  	_ =	shalt  }
0x6b: {  	_ =	shalt  }
0x6c: {  	_ =	shalt  }
0x6d: {  	_ =	shalt  }
0x6e: {  	_ =	shalt  }
0x6f: {  	_ =	shalt  }
0x70: {  	_ =	shalt  }
0x71: {  	_ =	shalt  }
0x72: {  	_ =	shalt  }
0x73: {  	_ =	shalt  }
0x74: {  	_ =	shalt  }
0x75: {  	_ =	shalt  }
0x76: {  	_ =	shalt  }
0x77: {  	_ =	shalt  }
0x78: {  	_ =	shalt  }
0x79: {  	_ =	shalt  }
0x7a: {  	_ =	shalt  }
0x7b: {  	_ =	shalt  }
0x7c: {  	_ =	shalt  }
0x7d: {  	_ =	shalt  }
0x7e: {  	_ =	shalt  }
0x7f: {  	_ =	shalt  }
0x80: {  	_ =	shalt  }
0x81: {  	_ =	shalt  }
0x82: {  	_ =	shalt  }
0x83: {  	_ =	shalt  }
0x84: {  	_ =	shalt  }
0x85: {  	_ =	shalt  }
0x86: {  	_ =	shalt  }
0x87: {  	_ =	shalt  }
.Lfunc_end0:
.L_simem_size_0:
called_computation_lowered:
.L_overlay_start_0:
0x88: {  	s2 =	sld [smem:$0x3FD9]  }
0x89: {  	s3 =	sld [smem:$0x3FFE];
	_ =	sdelay $0x1  }
0x8a: {  	s1 =	srdreg.scid  }
0x8b: {  	s0 =	sand.u32 $0x1, s1  }
0x8c: {  	s17 =	sshll.u32 s0, $0xA;
	s2 =	sadd.s32 s3, s2  }
0x8d: {  	s2 =	sadd.s32 s2, s17  }
0x8e: {  	[smem:$0x3FC6] =	sst s2  }
0x8f: {  	_ = 	snop  }
0x90: {  	s2 =	sld [smem:$0x3FC9]  }
0x91: {  	s18 =	sld [smem:$0x3FC8];
	(tm) =	ssettm $0x1  }
0x92: {  	s4 =	sld [smem:$0x3FFB];
	_ =	sdelay $0x3  }
0x93: {  	_ =	strace s4  }
0x94: {  	s4 =	sld [smem:$0x3FFC];
	_ =	sdelay $0x3  }
0x95: {  	_ =	strace s4  }
0x96: {  	s4 =	sld [smem:$0x3FFD];
	_ =	sdelay $0x3  }
0x97: {  	_ =	strace s4  }
0x98: {  	_ =	strace $0x8FFFFFFF  }
0x99: {  	s19 =	sld [smem:$0x3FDB];
	_ =	sdelay $0x1  }
0x9a: {  	s5 =	simm.s32 $_scs_section_size  }
0x9b: {  	s6 =	simm.s32 $_size__tile_overlayer_lowered;
	s7 =	simm.s32 $_tile_overlayer_lowered  }
0x9c: {  	s22 =	simm.s32 $0x1BFF;
	s21 =	sshll.u32 s7, $0x1;
	s4 =	sadd.s32 s5, s19  }
0x9d: {  	s8 =	simm.s32 $0x0;
	s20 =	sshll.u32 s6, $0x1;
	s6 =	sadd.s32 s21, s4  }
0x9e: {  	[timem:s8], [sflag:s22] =	dma.local [hbm:s6], s20  }
0x9f: {  	_ =	swait.ge [sflag:s22], s20  }
0xa0: {  	s5 =	ssub.s32 $0x0, s20;
	[sflag:s22] =	ssyncset.done $0x0  }
0xa1: {  	[sflag:s22] =	ssyncadd.s32 s5;
	_ =	sdelay $0x1  }
0xa2: {  	s23 =	simm.s32 $0x1B8B  }
0xa3: {  	_ =	swait.ge [sflag:s23], $0x1  }
0xa4: {  	[sflag:s23] =	ssyncset.done $0x0  }
0xa5: {  	s25 =	simm.s32 $0x1B8E;
	s24 =	sld [smem:$0x3FFE];
	[sflag:s23] =	ssyncadd.s32 $0xFFFFFFFF  }
0xa6: {  	s26 =	simm.s32 $execute0_lowered;
	[smem:$0x3FD2] =	sst s25  }
0xa7: {  	s6 =	sshll.u32 s26, $0x1;
	_ =	strace $0x80000046;
	[dreg:$0x1] =	wrdreg $0xFFFFFFFF  }
0xa8: {  	s28 =	simm.s32 $_size_execute0_lowered;
	s4 =	sadd.s32 s4, s6;
	[dreg:$0x0] =	wrdreg $0x0  }
0xa9: {  	s6 =	sshll.u32 s28, $0x1;
	[dreg:$0x2] =	wrdreg s4  }
0xaa: {  	[dreg:$0x3] =	wrdreg s6  }
0xab: {  	[dreg:$0x4] =	wrdreg $0xC0  }
0xac: {  	_ =	task [dreg:s8], $0x5FFFF  }
0xad: {  	[dreg:$0x1] =	wrdreg $0xFFFFFFFF  }
0xae: {  	[dreg:$0x0] =	wrdreg $0x60  }
0xaf: {  	[dreg:$0x2] =	wrdreg s2  }
0xb0: {  	[dreg:$0x3] =	wrdreg s18  }
0xb1: {  	[dreg:$0x4] =	wrdreg s24  }
0xb2: {  	[dreg:$0x5] =	wrdreg $0x9  }
0xb3: {  	_ =	task.clear_ibuf [dreg:s8], $0x6FFFF;
	_ =	strace $0x90000046  }
0xb4: {  	s29 =	simm.s32 $0x9;
	_ =	strace $0x80000048  }
0xb5: {  	_ =	swait.ge [sflag:s29], $0x1  }
0xb6: {  	[sflag:s29] =	ssyncadd.s32 $0xFFFFFFFF  }
0xb7: {  	_ =	strace $0x90000048  }
0xb8: {  	_ =	sfence  }
0xb9: {  	s30 =	sld [smem:$0x0];
	_ =	sdelay $0x2  }
0xba: {  	s31 =	sshll.u32 s1, $0xD;
	s1 =	sshrl.u32 s1, $0x2  }
0xbb: {  	s3 =	sand.u32 $0x4000, s31;
	s1 =	sadd.s32 s1, s30  }
0xbc: {  	s0 =	sor.u32 s3, s0;
	s1 =	sshll.u32 s1, $0x11  }
0xbd: {  	s0 =	sor.u32 s1, s0  }
0xbe: {  	s0 =	sadd.s32 $0x8F2B, s0  }
0xbf: {  	[sflag:s0] =	ssyncadd.remote.s32 $0x1  }
0xc0: {  	_ =	sfence.sel $0xFFFF  }
0xc1: {  	[dreg:$0x0] =	wrdreg $0xFFFFFFFF;
	(pc) =	sbr.abs _section_cstart, $3  }
0xc2: {  	[dreg:$0x1] =	wrdreg $0xFFFFFFFF  }
0xc3: {  	_ =	task.clear_ibuf [dreg:s8], $0x2FFFF;
	_ =	strace $0x9FFFFFFF  }
0xc4: {  	(tm) =	ssettm $0x7FFFFFFF  }
0xc5: {  	_ =	shalt  }
tec
execute0_lowered:
.L_overlay_start_1:
0x0: {  	(tag) =	ssettag $0x1  }
0x1: {  	s1 =	rddreg [dreg:$0x0]  }
0x2: {  	s3 =	rddreg [dreg:$0x1]  }
0x3: {  	s2 =	srdreg.scid;
	s0 =	stileid.u32  }
0x4: {  	s5 =	rddreg [dreg:$0x2];
	s4 =	simm.s32 $0x0;
	s12 =	simm.s32 $0x10000  }
0x5: {  	s13 =	simm.s32 $0x1;
	s14 =	simm.s32 $0x5;
	s15 =	simm.s32 $0x4000  }
0x6: {  	s16 =	simm.s32 $0x14000;
	s17 =	simm.s32 $0x8000;
	s18 =	simm.s32 $0x2  }
0x7: {  	s19 =	simm.s32 $0x6;
	s20 =	simm.s32 $0xC000;
	s21 =	simm.s32 $0x3  }
0x8: {  	s22 =	simm.s32 $0x4;
	s6 =	sand.u32 $0x1, s2;
	s7 =	sshll.u32 s0, $0x1  }
0x9: {  	s23 =	simm.s32 $0x0;
	[smem:$0x7FF] =	sst s4;
	s9 =	sor.u32 s6, s7  }
0xa: {  	s5 =	sadd.s32 $0x400, s5;
	s6 =	ssub.s32 $0x2, s6;
	s7 =	smul.u32 $0x6000, s9  }
0xb: {  	_ =	strace $0x80000047;
	s8 =	sshrl.u32 s6, $0x1;
	s10 =	smul.u32 $0xC0, s9  }
0xc: {  	s9 =	smul.u32 $0x30000, s9;
	s11 =	ssub.s32 s6, s8;
	s7 =	sadd.s32 $0x340000, s7  }
0xd: {  	s8 =	sadd.s32 $0x6810, s10;
	s10 =	sadd.s32 $0x6820, s10;
	s31 =	sand.u32 $0xFE000, s7  }
0xe: {  	s11 =	smax.u32 s11, $0x1;
	s6 =	sadd.s32 s1, s7;
	s7 =	sadd.s32 s3, s31  }
.LBB2_1:
0xf: {  	[tilespmem:s4], [sflag:$0x1] =	stream.linear.gather [hbm4b:s6+s4], $0x4000, $0x38;
	[tilespmem:$0x18000] =	vst v63  }
0x10: {  	s24 =	simm.s32 $0x0  }
0x11: {  	[tilespmem:s12], [sflag:$0x5] =	stream.linear.gather [hbm4b:s7+s4], $0x4000, $0x38;
	[tilespmem:$0x18000] =	vst v63  }
.LBB2_2:
0x12: {  	p0 =	seq.s32 s24, $0x0  }
0x13: {  	s25 =	simm.s32 @!p0 $0x3  }
0x14: {  	_ =	swait.ge @!p0 [sflag:s25], $0x4000  }
0x15: {  	[sflag:s25] =	ssyncset.done @!p0 $0x0  }
0x16: {  	[sflag:s25] =	ssyncadd.s32 @!p0 $0xFFFFC000  }
0x17: {  	_ =	swait.ge [sflag:s13], $0x4000  }
0x18: {  	[sflag:s13] =	ssyncset.done $0x0  }
0x19: {  	s25 =	sshll.u32 s24, $0x5;
	[sflag:s13] =	ssyncadd.s32 $0xFFFFC000  }
0x1a: {  	s26 =	sadd.s32 s25, s8;
	_ =	swait.ge [sflag:s14], $0x4000  }
0x1b: {  	s29 =	simm.s32 $0x0;
	s26 =	sshll.u32 s26, $0x7;
	[sflag:s14] =	ssyncset.done $0x0  }
0x1c: {  	s28 =	sadd.s32 s1, s26;
	s26 =	sand.u32 $0xFF800, s26;
	[sflag:s14] =	ssyncadd.s32 $0xFFFFC000  }
0x1d: {  	[tilespmem:s15], [sflag:$0x2] =	stream.linear.gather [hbm4b:s28+s29], $0x4000, $0x38;
	[tilespmem:$0x18000] =	vst v63  }
0x1e: {  	s31 =	simm.s32 $0x0;
	s26 =	sadd.s32 s3, s26  }
0x1f: {  	[tilespmem:s16], [sflag:$0x6] =	stream.linear.gather [hbm4b:s26+s29], $0x4000, $0x38;
	[tilespmem:$0x18000] =	vst v63  }
0x20: {  	s30 =	simm.s32 $0x0;
	s28 =	sand.u32 $0x1C00, s29;
	s26 =	sand.u32 $0x2000, s31  }
0x21: {  	s26 =	sor.u32 s28, s26;
	s28 =	sand.u32 $0x380, s30  }
0x22: {  	s26 =	sor.u32 s28, s26  }
0x23: {  	v0 =	vld [tilespmem:s26+$0x70]  }
0x24: {  	v2 =	vld [tilespmem:s26+$0x10070]  }
0x25: {  	v3 =	vld [tilespmem:s26+$0x0]  }
0x26: {  	v5 =	vld [tilespmem:s26+$0x10000]  }
0x27: {  	v6 =	vld [tilespmem:s26+$0x10]  }
0x28: {  	v7 =	vld [tilespmem:s26+$0x10010]  }
0x29: {  	v1 =	vld [tilespmem:s26+$0x20]  }
0x2a: {  	v4 =	vld [tilespmem:s26+$0x10020];
	v2 =	vadd.f32 v2, v0  }
0x2b: {  	v5 =	vadd.f32 v5, v3;
	v0 =	vld [tilespmem:s26+$0x30]  }
0x2c: {  	v3 =	vld [tilespmem:s26+$0x10030];
	[tilespmem:s26+$0x8070] =	vst v2  }
0x2d: {  	s30 =	simm.s32 $0x0;
	s28 =	sshll.u32 s24, $0x1;
	[tilespmem:s26+$0x8000] =	vst v5;
	v5 =	vadd.f32 v7, v6;
	v2 =	vld [tilespmem:s26+$0x40]  }
.LBB2_3:
0x2e: {  	s30 =	sadd.s32 $0x8, s30;
	v6 =	vld [tilespmem:s26+$0x10040]  }
0x2f: {  	s29 =	sadd.s32 $0x400, s29;
	s31 =	sshll.u32 s30, $0x4;
	p1 =	slt.u32 s30, $0x3F8;
	[tilespmem:s26+$0x8010] =	vst v5;
	v1 =	vadd.f32 v4, v1;
	v4 =	vld [tilespmem:s26+$0x50]  }
0x30: {  	s2 =	sand.u32 $0x1C00, s29;
	s0 =	sshll.u32 s30, $0x1;
	s31 =	sand.u32 $0x2000, s31;
	v5 =	vld [tilespmem:s26+$0x10050]  }
0x31: {  	s0 =	sand.u32 $0x380, s0;
	s2 =	sor.u32 s2, s31;
	[tilespmem:s26+$0x8020] =	vst v1;
	v0 =	vadd.f32 v3, v0;
	v1 =	vld [tilespmem:s26+$0x60]  }
0x32: {  	s0 =	sor.u32 s0, s2;
	v3 =	vld [tilespmem:s26+$0x10060]  }
0x33: {  	v7 =	vld [tilespmem:s0+$0x70];
	[tilespmem:s26+$0x8030] =	vst v0;
	v0 =	vadd.f32 v6, v2  }
0x34: {  	v2 =	vld [tilespmem:s0+$0x10070]  }
0x35: {  	v6 =	vld [tilespmem:s0+$0x0];
	[tilespmem:s26+$0x8040] =	vst v0;
	v0 =	vadd.f32 v5, v4  }
0x36: {  	v5 =	vld [tilespmem:s0+$0x10000]  }
0x37: {  	v8 =	vld [tilespmem:s0+$0x10];
	[tilespmem:s26+$0x8050] =	vst v0;
	v0 =	vadd.f32 v3, v1  }
0x38: {  	v9 =	vld [tilespmem:s0+$0x10010]  }
.Ltmp0:
0x39: {  	v1 =	vld [tilespmem:s0+$0x20];
	v2 =	vadd.f32 v2, v7;
	[tilespmem:s26+$0x8060] =	vst v0;
	s26 =	smov.u32 s0;
	(pc) =	sbr.rel @p1 .LBB2_3-.Ltmp0, $4  }
0x3a: {  	v4 =	vld [tilespmem:s26+$0x10020]  }
0x3b: {  	v5 =	vadd.f32 v5, v6;
	v0 =	vld [tilespmem:s26+$0x30];
	[tilespmem:s26+$0x8070] =	vst v2  }
0x3c: {  	v3 =	vld [tilespmem:s26+$0x10030]  }
0x3d: {  	[tilespmem:s26+$0x8000] =	vst v5;
	v5 =	vadd.f32 v9, v8;
	v2 =	vld [tilespmem:s26+$0x40]  }
0x3e: {  	v6 =	vld [tilespmem:s26+$0x10040]  }
0x3f: {  	v7 =	vld [tilespmem:s26+$0x50]  }
0x40: {  	v8 =	vld [tilespmem:s26+$0x10050]  }
0x41: {  	v9 =	vld [tilespmem:s26+$0x60]  }
0x42: {  	v10 =	vld [tilespmem:s26+$0x10060]  }
0x43: {  	v1 =	vadd.f32 v4, v1  }
0x44: {  	[tilespmem:s26+$0x8010] =	vst v5;
	v0 =	vadd.f32 v3, v0  }
0x45: {  	[tilespmem:s26+$0x8020] =	vst v1;
	v1 =	vadd.f32 v6, v2  }
0x46: {  	s0 =	sshll.u32 s24, $0xF;
	[tilespmem:s26+$0x8030] =	vst v0;
	v0 =	vadd.f32 v8, v7  }
0x47: {  	s0 =	sadd.s32 s9, s0;
	[tilespmem:s26+$0x8040] =	vst v1;
	v1 =	vadd.f32 v10, v9  }
0x48: {  	s0 =	sshrl.u32 s0, $0x3;
	[tilespmem:s26+$0x8050] =	vst v0  }
0x49: {  	s0 =	sadd.s32 s5, s0;
	[tilespmem:s26+$0x8060] =	vst v1  }
0x4a: {  	[hbm4b:s0+s4] =	stream.linear.scatter [tilespmem:s17], [sflag:$0x3], $0x4000, $0x38;
	[tilespmem:$0x18000] =	vst v63  }
0x4b: {  	s0 =	simm.s32 @!p0 $0x4  }
0x4c: {  	_ =	swait.ge @!p0 [sflag:s0], $0x4000  }
0x4d: {  	[sflag:s0] =	ssyncset.done @!p0 $0x0  }
0x4e: {  	[sflag:s0] =	ssyncadd.s32 @!p0 $0xFFFFC000  }
0x4f: {  	_ =	swait.ge [sflag:s18], $0x4000  }
0x50: {  	s26 =	sor.u32 $0x1, s28;
	[sflag:s18] =	ssyncset.done $0x0  }
0x51: {  	p0 =	sgt.u32 s26, $0xA;
	[sflag:s18] =	ssyncadd.s32 $0xFFFFC000  }
0x52: {  	s0 =	sadd.s32 @!p0 s25, s10;
	_ =	swait.ge [sflag:s19], $0x4000  }
0x53: {  	s25 =	simm.s32 @!p0 $0x0;
	s0 =	sshll.u32 @!p0 s0, $0x7;
	[sflag:s19] =	ssyncset.done $0x0  }
0x54: {  	s2 =	sadd.s32 @!p0 s1, s0;
	s0 =	sand.u32 @!p0 $0xFF000, s0;
	[sflag:s19] =	ssyncadd.s32 $0xFFFFC000  }
0x55: {  	[tilespmem:s25], [sflag:$0x1] =	stream.linear.gather @!p0 [hbm4b:s2+s25], $0x4000, $0x38;
	[tilespmem:$0x18000] =	vst v63  }
0x56: {  	s0 =	sadd.s32 @!p0 s3, s0;
	s2 =	simm.s32 @!p0 $0x10000  }
0x57: {  	[tilespmem:s2], [sflag:$0x5] =	stream.linear.gather @!p0 [hbm4b:s0+s25], $0x4000, $0x38;
	[tilespmem:$0x18000] =	vst v63  }
0x58: {  	s28 =	simm.s32 $0x0;
	s2 =	simm.s32 $0x0  }
0x59: {  	s30 =	simm.s32 $0x0;
	s25 =	sand.u32 $0x1C00, s28;
	s0 =	sand.u32 $0x2000, s2  }
0x5a: {  	s31 =	sand.u32 $0x380, s30;
	s0 =	sor.u32 s25, s0  }
0x5b: {  	s25 =	sor.u32 s31, s0  }
0x5c: {  	v0 =	vld [tilespmem:s25+$0x4070]  }
0x5d: {  	v2 =	vld [tilespmem:s25+$0x14070]  }
0x5e: {  	v3 =	vld [tilespmem:s25+$0x4000]  }
0x5f: {  	v5 =	vld [tilespmem:s25+$0x14000]  }
0x60: {  	v6 =	vld [tilespmem:s25+$0x4010]  }
0x61: {  	v7 =	vld [tilespmem:s25+$0x14010]  }
0x62: {  	v1 =	vld [tilespmem:s25+$0x4020]  }
0x63: {  	v4 =	vld [tilespmem:s25+$0x14020];
	v2 =	vadd.f32 v2, v0  }
0x64: {  	v5 =	vadd.f32 v5, v3;
	v0 =	vld [tilespmem:s25+$0x4030]  }
0x65: {  	v3 =	vld [tilespmem:s25+$0x14030];
	[tilespmem:s25+$0xC070] =	vst v2  }
0x66: {  	s29 =	simm.s32 $0x0;
	[tilespmem:s25+$0xC000] =	vst v5;
	v5 =	vadd.f32 v7, v6;
	v2 =	vld [tilespmem:s25+$0x4040]  }
.LBB2_5:
0x67: {  	s29 =	sadd.s32 $0x8, s29;
	v6 =	vld [tilespmem:s25+$0x14040]  }
0x68: {  	s28 =	sadd.s32 $0x400, s28;
	s0 =	sshll.u32 s29, $0x4;
	p0 =	slt.u32 s29, $0x3F8;
	[tilespmem:s25+$0xC010] =	vst v5;
	v1 =	vadd.f32 v4, v1;
	v4 =	vld [tilespmem:s25+$0x4050]  }
0x69: {  	s2 =	sand.u32 $0x1C00, s28;
	s30 =	sshll.u32 s29, $0x1;
	s0 =	sand.u32 $0x2000, s0;
	v5 =	vld [tilespmem:s25+$0x14050]  }
0x6a: {  	s0 =	sor.u32 s2, s0;
	s2 =	sand.u32 $0x380, s30;
	[tilespmem:s25+$0xC020] =	vst v1;
	v0 =	vadd.f32 v3, v0;
	v1 =	vld [tilespmem:s25+$0x4060]  }
0x6b: {  	s0 =	sor.u32 s2, s0;
	v3 =	vld [tilespmem:s25+$0x14060]  }
0x6c: {  	v7 =	vld [tilespmem:s0+$0x4070];
	[tilespmem:s25+$0xC030] =	vst v0;
	v0 =	vadd.f32 v6, v2  }
0x6d: {  	v2 =	vld [tilespmem:s0+$0x14070]  }
0x6e: {  	v6 =	vld [tilespmem:s0+$0x4000];
	[tilespmem:s25+$0xC040] =	vst v0;
	v0 =	vadd.f32 v5, v4  }
0x6f: {  	v5 =	vld [tilespmem:s0+$0x14000]  }
0x70: {  	v8 =	vld [tilespmem:s0+$0x4010];
	[tilespmem:s25+$0xC050] =	vst v0;
	v0 =	vadd.f32 v3, v1  }
0x71: {  	v9 =	vld [tilespmem:s0+$0x14010]  }
.Ltmp1:
0x72: {  	v1 =	vld [tilespmem:s0+$0x4020];
	v2 =	vadd.f32 v2, v7;
	[tilespmem:s25+$0xC060] =	vst v0;
	s25 =	smov.u32 s0;
	(pc) =	sbr.rel @p0 .LBB2_5-.Ltmp1, $4  }
0x73: {  	v4 =	vld [tilespmem:s25+$0x14020]  }
0x74: {  	v5 =	vadd.f32 v5, v6;
	v0 =	vld [tilespmem:s25+$0x4030];
	[tilespmem:s25+$0xC070] =	vst v2  }
0x75: {  	v3 =	vld [tilespmem:s25+$0x14030]  }
0x76: {  	[tilespmem:s25+$0xC000] =	vst v5;
	v5 =	vadd.f32 v9, v8;
	v2 =	vld [tilespmem:s25+$0x4040]  }
0x77: {  	v6 =	vld [tilespmem:s25+$0x14040]  }
0x78: {  	v7 =	vld [tilespmem:s25+$0x4050]  }
0x79: {  	v8 =	vld [tilespmem:s25+$0x14050]  }
0x7a: {  	v9 =	vld [tilespmem:s25+$0x4060]  }
0x7b: {  	v10 =	vld [tilespmem:s25+$0x14060]  }
0x7c: {  	v1 =	vadd.f32 v4, v1  }
0x7d: {  	s24 =	sadd.s32 $0x1, s24;
	[tilespmem:s25+$0xC010] =	vst v5;
	v0 =	vadd.f32 v3, v0  }
0x7e: {  	p0 =	sne.s32 s24, $0x6;
	[tilespmem:s25+$0xC020] =	vst v1;
	v61 =	vadd.f32 v6, v2  }
.Ltmp2:
0x7f: {  	s0 =	sshll.u32 s26, $0xE;
	[tilespmem:s25+$0xC030] =	vst v0;
	v62 =	vadd.f32 v8, v7;
	(pc) =	sbr.rel @p0 .LBB2_2-.Ltmp2, $4  }
0x80: {  	s0 =	sadd.s32 s9, s0;
	v63 =	vadd.f32 v10, v9;
	[tilespmem:s25+$0xC040] =	vst v61  }
0x81: {  	s0 =	sshrl.u32 s0, $0x3;
	[tilespmem:s25+$0xC050] =	vst v62  }
0x82: {  	s0 =	sadd.s32 s5, s0;
	[tilespmem:s25+$0xC060] =	vst v63  }
0x83: {  	[hbm4b:s0+s4] =	stream.linear.scatter [tilespmem:s20], [sflag:$0x4], $0x4000, $0x38;
	[tilespmem:$0x18000] =	vst v63  }
0x84: {  	s23 =	sadd.s32 $0x1, s23  }
0x85: {  	_ =	swait.ge [sflag:s21], $0x4000;
	p0 =	sne.s32 s23, s11  }
.Ltmp3:
0x86: {  	[sflag:s21] =	ssyncset.done $0x0;
	(pc) =	sbr.rel @p0 .LBB2_1-.Ltmp3, $4  }
0x87: {  	[sflag:s21] =	ssyncadd.s32 $0xFFFFC000  }
0x88: {  	_ =	swait.ge [sflag:s22], $0x4000  }
0x89: {  	[sflag:s22] =	ssyncset.done $0x0  }
0x8a: {  	[sflag:s22] =	ssyncadd.s32 $0xFFFFC000  }
0x8b: {  	_ =	sfence.sel $0x180000  }
0x8c: {  	[bflag:$0x0] =	sbarrier.arrive $0xFFFF  }
0x8d: {  	_ =	strace $0x90000047  }
0x8e: {  	s0 =	stileid.u32;
	[bflag:$0x2] =	sbarrier.arrive $0xFFFF  }
0x8f: {  	p0 =	sne.s32 s0, $0x0;
	s0 =	rddreg [dreg:$0x3]  }
0x90: {  	s0 =	sadd.s32 @!p0 $0x100000, s0  }
0x91: {  	[sflag:s0] =	ssyncadd.tile.s32 @!p0 $0x1;
	_ =	shalt  }
.Lfunc_end2:
_tile_overlayer_lowered:
.L_overlay_start_2:
0x92: {  	(tag) =	ssettag $0x2  }
0x93: {  	s0 =	rddreg [dreg:$0x0];
	s2 =	stileid.u32  }
0x94: {  	s1 =	rddreg [dreg:$0x1];
	p0 =	sne.s32 s2, $0x0  }
0x95: {  	s3 =	rddreg [dreg:$0x2];
	[bflag:$0x3] =	sbarrier.arrive $0xFFFF;
	s2 =	simm.s32 @!p0 $0x1C07  }
0x96: {  	[timem:s3], [sflag:s2] =	dma.local @!p0 [hbm:s0], s1  }
0x97: {  	s0 =	simm.s32 @!p0 $0x7  }
0x98: {  	_ =	swait.ge @!p0 [sflag:s0], s1  }
0x99: {  	s1 =	ssub.s32 @!p0 $0x0, s1;
	[sflag:s0] =	ssyncset.done @!p0 $0x0  }
0x9a: {  	[sflag:s0] =	ssyncadd.s32 @!p0 s1  }
0x9b: {  	[bflag:$0x3] =	sbarrier.arrive $0xFFFF  }
0x9c: {  	_ =	shalt  }

</sc_bundles>
